<compile_context>
chip_gen: v7x
topology: tpu7x:2x2x1
jax: 0.10.2.dev20260603
libtpu: 0.0.44.dev20260713+nightly
codegen_flags: <defaults>
</compile_context>

<pallas_src>
import functools

import jax
import jax.numpy as jnp
from jax import lax
from jax.experimental import pallas as pl
from jax.experimental.pallas import tpu as pltpu
from jax.experimental.pallas import tpu_sc as plsc

VOCAB = 100000
EMB = 64
HID = 256
CAP_LEN = 199
SEQ = CAP_LEN + 1

_NW = 32
_B_PAD = 256
_B_PER_W = _B_PAD // _NW
_WIDE = 2 * EMB


@functools.lru_cache(maxsize=1)
def _sc_gather_build():
    mesh = plsc.VectorSubcoreMesh(core_axis_name="c", subcore_axis_name="s")

    @functools.partial(
        pl.kernel,
        mesh=mesh,
        out_type=jax.ShapeDtypeStruct((_B_PAD, _WIDE), jnp.float32),
        scratch_types=[
            pltpu.VMEM((_B_PER_W,), jnp.int32),
            pltpu.VMEM((_B_PER_W, _WIDE), jnp.float32),
            pltpu.SemaphoreType.DMA,
        ],
        compiler_params=pltpu.CompilerParams(use_tc_tiling_on_sc=True),
    )
    def gather_k(emb_hbm, idx_hbm, out_hbm, idx_v, rows_v, sem):
        wid = lax.axis_index("s") * 2 + lax.axis_index("c")
        base = wid * _B_PER_W
        pltpu.sync_copy(idx_hbm.at[pl.ds(base, _B_PER_W)], idx_v)
        pltpu.async_copy(emb_hbm.at[idx_v], rows_v, sem).wait()
        pltpu.sync_copy(rows_v, out_hbm.at[pl.ds(base, _B_PER_W)])

    return gather_k


def _gru_body(x_ref, wih_ref, whh_ref, bih_ref, bhh_ref, out_ref, gi_ref):
    gi_ref[:] = (
        jnp.dot(x_ref[:], wih_ref[:], preferred_element_type=jnp.float32)
        + bih_ref[:]
    )
    whh = whh_ref[:]
    bhh = bhh_ref[:]

    def step(t, h):
        gi = gi_ref[pl.ds(t, 1), :]
        gh = jnp.dot(h, whh, preferred_element_type=jnp.float32) + bhh
        i_r, i_z, i_n = gi[:, :HID], gi[:, HID:2 * HID], gi[:, 2 * HID:]
        h_r, h_z, h_n = gh[:, :HID], gh[:, HID:2 * HID], gh[:, 2 * HID:]
        r = jax.nn.sigmoid(i_r + h_r)
        z = jax.nn.sigmoid(i_z + h_z)
        n = jnp.tanh(i_n + r * h_n)
        h_new = (1.0 - z) * n + z * h
        out_ref[pl.ds(t, 1), :] = h_new
        return h_new

    lax.fori_loop(0, SEQ, step, jnp.zeros((1, HID), jnp.float32))


def _gru_call(x, wih_t, whh_t, bih, bhh):
    return pl.pallas_call(
        _gru_body,
        out_shape=jax.ShapeDtypeStruct((SEQ, HID), jnp.float32),
        scratch_shapes=[pltpu.VMEM((SEQ, 3 * HID), jnp.float32)],
    )(x, wih_t, whh_t, bih, bhh)


_BV = 2048


def _proj_body(g_ref, w_ref, b_ref, out_ref):
    out_ref[:] = (
        lax.dot_general(
            g_ref[:], w_ref[:],
            (((1,), (1,)), ((), ())),
            preferred_element_type=jnp.float32,
        )
        + b_ref[:]
    )


def _proj_call(gru_out, w_lin, b_lin2d):
    grid = (pl.cdiv(VOCAB, _BV),)
    return pl.pallas_call(
        _proj_body,
        grid=grid,
        in_specs=[
            pl.BlockSpec((SEQ, HID), lambda i: (0, 0)),
            pl.BlockSpec((_BV, HID), lambda i: (i, 0)),
            pl.BlockSpec((1, _BV), lambda i: (0, i)),
        ],
        out_specs=pl.BlockSpec((SEQ, _BV), lambda i: (0, i)),
        out_shape=jax.ShapeDtypeStruct((SEQ, VOCAB), jnp.float32),
    )(gru_out, w_lin, b_lin2d)


def kernel(features, caption, emb, W_ih, W_hh, b_ih, b_hh, W_lin, b_lin):
    cap32 = caption.astype(jnp.int32)
    cap_pad = jnp.zeros((_B_PAD,), jnp.int32).at[:CAP_LEN].set(cap32)
    emb_wide = emb.reshape(VOCAB // 2, _WIDE)
    wide = _sc_gather_build()(emb_wide, cap_pad >> 1)
    odd = (cap_pad[:CAP_LEN] & 1)[:, None].astype(jnp.bool_)
    embeds = jnp.where(odd, wide[:CAP_LEN, EMB:], wide[:CAP_LEN, :EMB])
    x = jnp.concatenate([features, embeds], axis=0)
    gru_out = _gru_call(x, W_ih.T, W_hh.T, b_ih[None, :], b_hh[None, :])
    return _proj_call(gru_out, W_lin, b_lin[None, :])

# --- scband reference (transcript-rebuilt; emitter-appended) ---
"""Pipeline reference for scband-decoder-rnn-24618752540872 (READ-ONLY COPY).

The authoritative reference and input builder live on the scoring server;
editing this copy changes nothing except your own understanding.
"""

import jax, jax.numpy as jnp
import numpy as np

VOCAB = 100000
EMB = 64
HID = 256
CAP_LEN = 199


def setup_inputs(seed: int = 0) -> dict:
    key = jax.random.key(seed)
    ks = jax.random.split(key, 10)
    features = jax.random.normal(ks[0], (1, EMB), dtype=jnp.float32)
    caption = jax.random.randint(ks[1], (CAP_LEN,), 0, VOCAB, dtype=jnp.int64 if jax.config.read('jax_enable_x64') else jnp.int32)
    # parameters (match torch init scales roughly)
    emb = jax.random.uniform(ks[2], (VOCAB, EMB), minval=-0.1, maxval=0.1, dtype=jnp.float32)
    k_gru = 1.0 / np.sqrt(HID)
    W_ih = jax.random.uniform(ks[3], (3 * HID, EMB), minval=-k_gru, maxval=k_gru, dtype=jnp.float32)
    W_hh = jax.random.uniform(ks[4], (3 * HID, HID), minval=-k_gru, maxval=k_gru, dtype=jnp.float32)
    b_ih = jax.random.uniform(ks[5], (3 * HID,), minval=-k_gru, maxval=k_gru, dtype=jnp.float32)
    b_hh = jax.random.uniform(ks[6], (3 * HID,), minval=-k_gru, maxval=k_gru, dtype=jnp.float32)
    W_lin = jax.random.uniform(ks[7], (VOCAB, HID), minval=-0.1, maxval=0.1, dtype=jnp.float32)
    b_lin = jnp.zeros((VOCAB,), dtype=jnp.float32)
    return {"features": features, "caption": caption, "emb": emb,
            "W_ih": W_ih, "W_hh": W_hh, "b_ih": b_ih, "b_hh": b_hh,
            "W_lin": W_lin, "b_lin": b_lin}


def reference(features, caption, emb, W_ih, W_hh, b_ih, b_hh, W_lin, b_lin):
    # embedding lookup (SparseCore-style gather)
    embeds = jnp.take(emb, caption, axis=0)            # [L, EMB]
    x = jnp.concatenate([features, embeds], axis=0)    # [L+1, EMB]
    H = W_hh.shape[1]

    def step(h, xt):
        gi = W_ih @ xt + b_ih                          # [3H]
        gh = W_hh @ h + b_hh                           # [3H]
        i_r, i_z, i_n = jnp.split(gi, 3)
        h_r, h_z, h_n = jnp.split(gh, 3)
        r = jax.nn.sigmoid(i_r + h_r)
        z = jax.nn.sigmoid(i_z + h_z)
        n = jnp.tanh(i_n + r * h_n)
        h_new = (1.0 - z) * n + z * h
        return h_new, h_new

    h0 = jnp.zeros((H,), dtype=x.dtype)
    _, gru_out = jax.lax.scan(step, h0, x)             # [L+1, H]
    out = gru_out @ W_lin.T + b_lin                    # [L+1, VOCAB]
    return out

if __name__ == "__main__":
    import jax
    _d = setup_inputs()
    print(jax.jit(kernel)(*tuple(_d.values())))

</pallas_src>

<mosaic_0001>
#map = affine_map<(d0, d1) -> (0, 0)>
#map1 = affine_map<(d0, d1) -> (0)>
module attributes {stable_mosaic.version = 14 : i64} {
  func.func @gather_k(%arg0: i32, %arg1: i32, %arg2: memref<50000x128xf32, #tpu.memory_space<hbm>>, %arg3: memref<256xi32, #tpu.memory_space<hbm>>, %arg4: memref<256x128xf32, #tpu.memory_space<hbm>>, %arg5: memref<8xi32, #tpu.memory_space<vmem>>, %arg6: memref<8x128xf32, #tpu.memory_space<vmem>>, %arg7: memref<!tpu.dma_semaphore, #tpu.memory_space<semaphore_mem>>) attributes {dimension_semantics = [#tpu.dimension_semantics<core_parallel>, #tpu.dimension_semantics<subcore_parallel>], iteration_bounds = array<i64: 2, 16>, scalar_prefetch = 0 : i64, scratch_operands = 3 : i64, tpu.core_type = #tpu.core_type<sc_vector_subcore>, window_params = [{transform_indices = #map}, {transform_indices = #map1}, {transform_indices = #map}]} {
    %mul3A = arith.constant 2 : i32
    %mul3A_0 = arith.muli %arg1, %mul3A : i32
    %add3A = arith.addi %mul3A_0, %arg0 : i32
    %mul3A_1 = arith.constant 8 : i32
    %mul3A_2 = arith.muli %add3A, %mul3A_1 : i32
    "tpu.region"() ({
      %run_scoped3A = tpu.sem_alloc : memref<!tpu.dma_semaphore, #tpu.memory_space<semaphore_mem>>
      %dma_start3A_7 = tpu.memref_slice %arg3[%mul3A_2] : memref<256xi32, #tpu.memory_space<hbm>> -> memref<8xi32, #tpu.memory_space<hbm>>
      %dma_start3A_8 = tpu.memref_slice %arg3[%mul3A_2] : memref<256xi32, #tpu.memory_space<hbm>> -> memref<8xi32, #tpu.memory_space<hbm>>
      tpu.enqueue_dma source(%dma_start3A_8 : memref<8xi32, #tpu.memory_space<hbm>>) target(%arg5 : memref<8xi32, #tpu.memory_space<vmem>>) target_semaphore(%run_scoped3A : memref<!tpu.dma_semaphore, #tpu.memory_space<semaphore_mem>>)
      %dma_wait3A_9 = tpu.memref_slice %arg3[%mul3A_2] : memref<256xi32, #tpu.memory_space<hbm>> -> memref<8xi32, #tpu.memory_space<hbm>>
      %dma_wait3A_10 = tpu.memref_slice %arg3[%mul3A_2] : memref<256xi32, #tpu.memory_space<hbm>> -> memref<8xi32, #tpu.memory_space<hbm>>
      tpu.wait_dma2 semaphore(%run_scoped3A : memref<!tpu.dma_semaphore, #tpu.memory_space<semaphore_mem>>) src(%dma_wait3A_10 : memref<8xi32, #tpu.memory_space<hbm>>) dst(%arg5 : memref<8xi32, #tpu.memory_space<vmem>>)
      tpu.yield
    }) : () -> ()
    %dma_start3A = arith.constant 0 : i32
    %dma_start3A_3 = arith.constant 0 : i32
    %dma_start3A_4 = tpu.memref_slice %arg2[%dma_start3A, %dma_start3A_3] : memref<50000x128xf32, #tpu.memory_space<hbm>> -> memref<50000x128xf32, #tpu.memory_space<hbm>>
    tpu.enqueue_indirect_dma source(%dma_start3A_4 : memref<50000x128xf32, #tpu.memory_space<hbm>>) target(%arg6 : memref<8x128xf32, #tpu.memory_space<vmem>>) offsets(%arg5 : memref<8xi32, #tpu.memory_space<vmem>>) semaphore(%arg7 : memref<!tpu.dma_semaphore, #tpu.memory_space<semaphore_mem>>)
    %dma_wait3A = arith.constant 0 : i32
    %dma_wait3A_5 = arith.constant 0 : i32
    %dma_wait3A_6 = tpu.memref_slice %arg2[%dma_wait3A, %dma_wait3A_5] : memref<50000x128xf32, #tpu.memory_space<hbm>> -> memref<50000x128xf32, #tpu.memory_space<hbm>>
    tpu.wait_indirect_dma semaphore(%arg7 : memref<!tpu.dma_semaphore, #tpu.memory_space<semaphore_mem>>) src(%dma_wait3A_6 : memref<50000x128xf32, #tpu.memory_space<hbm>>) dst(%arg6 : memref<8x128xf32, #tpu.memory_space<vmem>>)
    "tpu.region"() ({
      %run_scoped3A = tpu.sem_alloc : memref<!tpu.dma_semaphore, #tpu.memory_space<semaphore_mem>>
      %dma_start3A_7 = arith.constant 0 : i32
      %dma_start3A_8 = tpu.memref_slice %arg4[%mul3A_2, %dma_start3A_7] : memref<256x128xf32, #tpu.memory_space<hbm>> -> memref<8x128xf32, #tpu.memory_space<hbm>>
      %dma_start3A_9 = arith.constant 0 : i32
      %dma_start3A_10 = tpu.memref_slice %arg4[%mul3A_2, %dma_start3A_9] : memref<256x128xf32, #tpu.memory_space<hbm>> -> memref<8x128xf32, #tpu.memory_space<hbm>>
      tpu.enqueue_dma source(%arg6 : memref<8x128xf32, #tpu.memory_space<vmem>>) target(%dma_start3A_10 : memref<8x128xf32, #tpu.memory_space<hbm>>) target_semaphore(%run_scoped3A : memref<!tpu.dma_semaphore, #tpu.memory_space<semaphore_mem>>)
      %dma_wait3A_11 = arith.constant 0 : i32
      %dma_wait3A_12 = tpu.memref_slice %arg4[%mul3A_2, %dma_wait3A_11] : memref<256x128xf32, #tpu.memory_space<hbm>> -> memref<8x128xf32, #tpu.memory_space<hbm>>
      %dma_wait3A_13 = arith.constant 0 : i32
      %dma_wait3A_14 = tpu.memref_slice %arg4[%mul3A_2, %dma_wait3A_13] : memref<256x128xf32, #tpu.memory_space<hbm>> -> memref<8x128xf32, #tpu.memory_space<hbm>>
      tpu.wait_dma2 semaphore(%run_scoped3A : memref<!tpu.dma_semaphore, #tpu.memory_space<semaphore_mem>>) src(%arg6 : memref<8x128xf32, #tpu.memory_space<vmem>>) dst(%dma_wait3A_14 : memref<8x128xf32, #tpu.memory_space<hbm>>)
      tpu.yield
    }) : () -> ()
    return
  }
}

module attributes {stable_mosaic.version = 14 : i64} {
  func.func @_gru_body(%arg0: memref<200x64xf32, #tpu.memory_space<vmem>>, %arg1: memref<64x768xf32, #tpu.memory_space<vmem>>, %arg2: memref<256x768xf32, #tpu.memory_space<vmem>>, %arg3: memref<1x768xf32, #tpu.memory_space<vmem>>, %arg4: memref<1x768xf32, #tpu.memory_space<vmem>>, %arg5: memref<200x256xf32, #tpu.memory_space<vmem>>, %arg6: memref<200x768xf32, #tpu.memory_space<vmem>>) attributes {dimension_semantics = [], scalar_prefetch = 0 : i64, scratch_operands = 1 : i64, tpu.core_type = #tpu.core_type<tc>} {
    %get3A = arith.constant 0 : index
    %get3A_0 = arith.constant 0 : index
    %get3A_1 = vector.load %arg0[%get3A, %get3A_0] : memref<200x64xf32, #tpu.memory_space<vmem>>, vector<200x64xf32>
    %get3A_2 = arith.constant 0 : index
    %get3A_3 = arith.constant 0 : index
    %get3A_4 = vector.load %arg1[%get3A_2, %get3A_3] : memref<64x768xf32, #tpu.memory_space<vmem>>, vector<64x768xf32>
    %dot_general3A = arith.constant dense<0.000000e+00> : vector<200x768xf32>
    %dot_general3A_5 = tpu.matmul %get3A_1, %get3A_4, %dot_general3A {dimension_numbers = #tpu.dot_dimension_numbers<[1], [0], [0], [1], [0, 0, 1, 1], [], []>, transpose_lhs_hint = false} : vector<200x64xf32>, vector<64x768xf32>, vector<200x768xf32> -> vector<200x768xf32>
    %get3A_6 = arith.constant 0 : index
    %get3A_7 = arith.constant 0 : index
    %get3A_8 = vector.load %arg3[%get3A_6, %get3A_7] : memref<1x768xf32, #tpu.memory_space<vmem>>, vector<1x768xf32>
    %add3A = vector.broadcast %get3A_8 : vector<1x768xf32> to vector<200x768xf32>
    %add3A_9 = arith.addf %dot_general3A_5, %add3A : vector<200x768xf32>
    %swap3A = arith.constant 0 : index
    %swap3A_10 = arith.constant 0 : index
    %swap3A_11 = vector.load %arg6[%swap3A, %swap3A_10] : memref<200x768xf32, #tpu.memory_space<vmem>>, vector<200x768xf32>
    tpu.vector_store %arg6[%swap3A, %swap3A_10], %add3A_9 {strides = array<i32>} : memref<200x768xf32, #tpu.memory_space<vmem>>, vector<200x768xf32>,
    %get3A_12 = arith.constant 0 : index
    %get3A_13 = arith.constant 0 : index
    %get3A_14 = vector.load %arg2[%get3A_12, %get3A_13] : memref<256x768xf32, #tpu.memory_space<vmem>>, vector<256x768xf32>
    %get3A_15 = arith.constant 0 : index
    %get3A_16 = arith.constant 0 : index
    %get3A_17 = vector.load %arg4[%get3A_15, %get3A_16] : memref<1x768xf32, #tpu.memory_space<vmem>>, vector<1x768xf32>
    %broadcast_in_dim3A = arith.constant 0.000000e+00 : f32
    %broadcast_in_dim3A_18 = vector.broadcast %broadcast_in_dim3A : f32 to vector<1x256xf32>
    %scan3A = arith.constant 0 : i32
    %scan3A_19 = arith.constant 200 : i32
    %scan3A_20 = arith.addi %scan3A, %scan3A_19 : i32
    %scan3A_21 = arith.constant 1 : i32
    %scan3A_22 = scf.for %scan3A_24 = %scan3A to %scan3A_20 step %scan3A_21 iter_args(%scan3A_25 = %broadcast_in_dim3A_18) -> (vector<1x256xf32>)  : i32 {
      %get3A_26 = arith.index_cast %scan3A_24 : i32 to index
      %get3A_27 = arith.constant 0 : index
      %get3A_28 = vector.load %arg6[%get3A_26, %get3A_27] : memref<200x768xf32, #tpu.memory_space<vmem>>, vector<1x768xf32>
      %dot_general3A_29 = arith.constant dense<0.000000e+00> : vector<1x768xf32>
      %dot_general3A_30 = tpu.matmul %scan3A_25, %get3A_14, %dot_general3A_29 {dimension_numbers = #tpu.dot_dimension_numbers<[1], [0], [0], [1], [0, 0, 1, 1], [], []>, transpose_lhs_hint = false} : vector<1x256xf32>, vector<256x768xf32>, vector<1x768xf32> -> vector<1x768xf32>
      %add3A_31 = arith.addf %dot_general3A_30, %get3A_17 : vector<1x768xf32>
      %slice3A = vector.extract_strided_slice %get3A_28 {offsets = [0, 0], sizes = [1, 256], strides = [1, 1]} : vector<1x768xf32> to vector<1x256xf32>
      %slice3A_32 = vector.extract_strided_slice %get3A_28 {offsets = [0, 256], sizes = [1, 256], strides = [1, 1]} : vector<1x768xf32> to vector<1x256xf32>
      %slice3A_33 = vector.extract_strided_slice %get3A_28 {offsets = [0, 512], sizes = [1, 256], strides = [1, 1]} : vector<1x768xf32> to vector<1x256xf32>
      %slice3A_34 = vector.extract_strided_slice %add3A_31 {offsets = [0, 0], sizes = [1, 256], strides = [1, 1]} : vector<1x768xf32> to vector<1x256xf32>
      %slice3A_35 = vector.extract_strided_slice %add3A_31 {offsets = [0, 256], sizes = [1, 256], strides = [1, 1]} : vector<1x768xf32> to vector<1x256xf32>
      %slice3A_36 = vector.extract_strided_slice %add3A_31 {offsets = [0, 512], sizes = [1, 256], strides = [1, 1]} : vector<1x768xf32> to vector<1x256xf32>
      %add3A_37 = arith.addf %slice3A, %slice3A_34 : vector<1x256xf32>
      %logistic3A = arith.negf %add3A_37 : vector<1x256xf32>
      %logistic3A_38 = math.exp %logistic3A : vector<1x256xf32>
      %logistic3A_39 = arith.constant 1.000000e+00 : f32
      %logistic3A_40 = vector.broadcast %logistic3A_39 : f32 to vector<1x256xf32>
      %logistic3A_41 = arith.addf %logistic3A_40, %logistic3A_38 : vector<1x256xf32>
      %logistic3A_42 = arith.divf %logistic3A_40, %logistic3A_41 : vector<1x256xf32>
      %add3A_43 = arith.addf %slice3A_32, %slice3A_35 : vector<1x256xf32>
      %logistic3A_44 = arith.negf %add3A_43 : vector<1x256xf32>
      %logistic3A_45 = math.exp %logistic3A_44 : vector<1x256xf32>
      %logistic3A_46 = arith.constant 1.000000e+00 : f32
      %logistic3A_47 = vector.broadcast %logistic3A_46 : f32 to vector<1x256xf32>
      %logistic3A_48 = arith.addf %logistic3A_47, %logistic3A_45 : vector<1x256xf32>
      %logistic3A_49 = arith.divf %logistic3A_47, %logistic3A_48 : vector<1x256xf32>
      %mul3A = arith.mulf %logistic3A_42, %slice3A_36 : vector<1x256xf32>
      %add3A_50 = arith.addf %slice3A_33, %mul3A : vector<1x256xf32>
      %tanh3A = math.tanh %add3A_50 : vector<1x256xf32>
      %sub3A = arith.constant 1.000000e+00 : f32
      %sub3A_51 = vector.broadcast %sub3A : f32 to vector<1x256xf32>
      %sub3A_52 = arith.subf %sub3A_51, %logistic3A_49 : vector<1x256xf32>
      %mul3A_53 = arith.mulf %sub3A_52, %tanh3A : vector<1x256xf32>
      %mul3A_54 = arith.mulf %logistic3A_49, %scan3A_25 : vector<1x256xf32>
      %add3A_55 = arith.addf %mul3A_53, %mul3A_54 : vector<1x256xf32>
      %swap3A_56 = arith.index_cast %scan3A_24 : i32 to index
      %swap3A_57 = arith.constant 0 : index
      %swap3A_58 = vector.load %arg5[%swap3A_56, %swap3A_57] : memref<200x256xf32, #tpu.memory_space<vmem>>, vector<1x256xf32>
      tpu.vector_store %arg5[%swap3A_56, %swap3A_57], %add3A_55 {strides = array<i32>} : memref<200x256xf32, #tpu.memory_space<vmem>>, vector<1x256xf32>,
      scf.yield %add3A_55 : vector<1x256xf32>
    }
    %scan3A_23 = arith.constant 200 : i32
    return
  }
}

module attributes {stable_mosaic.version = 14 : i64} {
  func.func @_proj_body(%arg0: i32, %arg1: memref<200x256xf32, #tpu.memory_space<vmem>>, %arg2: memref<2048x256xf32, #tpu.memory_space<vmem>>, %arg3: memref<1x2048xf32, #tpu.memory_space<vmem>>, %arg4: memref<200x2048xf32, #tpu.memory_space<vmem>>) attributes {dimension_semantics = [#tpu.dimension_semantics<arbitrary>], iteration_bounds = array<i64: 49>, scalar_prefetch = 0 : i64, scratch_operands = 0 : i64, tpu.core_type = #tpu.core_type<tc>, window_params = [{pipeline_mode = #tpu.pipeline_mode<synchronous>, transform_indices = @transform_0, window_bounds = array<i64: 200, 256>}, {transform_indices = @transform_1, window_bounds = array<i64: 2048, 256>}, {transform_indices = @transform_2, window_bounds = array<i64: 1, 2048>}, {transform_indices = @transform_3, window_bounds = array<i64: 200, 2048>}]} {
    %get3A = arith.constant 0 : index
    %get3A_0 = arith.constant 0 : index
    %get3A_1 = vector.load %arg1[%get3A, %get3A_0] : memref<200x256xf32, #tpu.memory_space<vmem>>, vector<200x256xf32>
    %get3A_2 = arith.constant 0 : index
    %get3A_3 = arith.constant 0 : index
    %get3A_4 = vector.load %arg2[%get3A_2, %get3A_3] : memref<2048x256xf32, #tpu.memory_space<vmem>>, vector<2048x256xf32>
    %dot_general3A = arith.constant dense<0.000000e+00> : vector<200x2048xf32>
    %dot_general3A_5 = tpu.matmul %get3A_1, %get3A_4, %dot_general3A {dimension_numbers = #tpu.dot_dimension_numbers<[1], [1], [0], [0], [0, 0, 1, 0], [], []>, transpose_lhs_hint = false} : vector<200x256xf32>, vector<2048x256xf32>, vector<200x2048xf32> -> vector<200x2048xf32>
    %get3A_6 = arith.constant 0 : index
    %get3A_7 = arith.constant 0 : index
    %get3A_8 = vector.load %arg3[%get3A_6, %get3A_7] : memref<1x2048xf32, #tpu.memory_space<vmem>>, vector<1x2048xf32>
    %add3A = vector.broadcast %get3A_8 : vector<1x2048xf32> to vector<200x2048xf32>
    %add3A_9 = arith.addf %dot_general3A_5, %add3A : vector<200x2048xf32>
    %swap3A = arith.constant 0 : index
    %swap3A_10 = arith.constant 0 : index
    %swap3A_11 = vector.load %arg4[%swap3A, %swap3A_10] : memref<200x2048xf32, #tpu.memory_space<vmem>>, vector<200x2048xf32>
    tpu.vector_store %arg4[%swap3A, %swap3A_10], %add3A_9 {strides = array<i32>} : memref<200x2048xf32, #tpu.memory_space<vmem>>, vector<200x2048xf32>,
    return
  }
  func.func @transform_0(%arg0: i32) -> (i32, i32) {
    %c0_i32 = arith.constant 0 : i32
    %c0_i32_0 = arith.constant 0 : i32
    %c0_i32_1 = arith.constant 0 : i32
    return %c0_i32, %c0_i32_0 : i32, i32
  }
  func.func @transform_1(%arg0: i32) -> (i32, i32) {
    %c0_i32 = arith.constant 0 : i32
    %c0_i32_0 = arith.constant 0 : i32
    return %arg0, %c0_i32 : i32, i32
  }
  func.func @transform_2(%arg0: i32) -> (i32, i32) {
    %c0_i32 = arith.constant 0 : i32
    %c0_i32_0 = arith.constant 0 : i32
    return %c0_i32, %arg0 : i32, i32
  }
  func.func @transform_3(%arg0: i32) -> (i32, i32) {
    %c0_i32 = arith.constant 0 : i32
    %c0_i32_0 = arith.constant 0 : i32
    return %c0_i32, %arg0 : i32, i32
  }
}

</mosaic_0001>

<sc_bundles>
// kernel: kernel.5.cloned.1.call-start
scs
__scs_entry_jumppad:
0x0: {  	(pc) =	sbr.rel $0x88, $3  }
0x1: {  	(tag) =	ssettag $0x0;
	lr =	simm.s32 $0x1  }
0x2: {  	[smem:$0x3F98] =	sst lr;
	_ =	strace $0xD0000000  }
0x3: {  	_ = 	snop  }
0x4: {  	_ = 	snop  }
0x5: {  	_ = 	snop  }
0x6: {  	_ = 	snop  }
0x7: {  	_ = 	snop  }
__scs_overlays_trampoline_lowered:
0x8: {  	[smem:$0x3FA7] =	sst s0  }
0x9: {  	[smem:$0x3FA8] =	sst s1  }
0xa: {  	[smem:$0x3FA9] =	sst s2  }
0xb: {  	[smem:$0x3FAA] =	sst s3  }
0xc: {  	[smem:$0x3FAB] =	sst s4  }
0xd: {  	[smem:$0x3FAC] =	sst s5  }
0xe: {  	[smem:$0x3FAD] =	sst s6  }
0xf: {  	[smem:$0x3FAE] =	sst s7  }
0x10: {  	[smem:$0x3FAF] =	sst s8  }
0x11: {  	[smem:$0x3FB0] =	sst s9;
	s0 =	simm.s32 @!p0 $0x0  }
0x12: {  	s1 =	sld [smem:$0x3F96];
	s0 =	simm.s32 @p0 $0x1  }
0x13: {  	[smem:$0x3FB1] =	sst s0;
	s0 =	simm.s32 @!p1 $0x0  }
0x14: {  	s2 =	sld [smem:$0x3F95];
	s0 =	simm.s32 @p1 $0x1  }
0x15: {  	[smem:$0x3FB2] =	sst s0;
	s0 =	simm.s32 @!p2 $0x0  }
0x16: {  	s3 =	sld [smem:$0x3FDB];
	s0 =	simm.s32 @p2 $0x1  }
0x17: {  	s4 =	simm.s32 $0x1BF5;
	[smem:$0x3FB4] =	sst s0  }
0x18: {  	s0 =	sld [smem:$0x3F97];
	_ =	swait.ge [sflag:s4], $0x0  }
0x19: {  	s7 =	sld [smem:$0x3F98]  }
0x1a: {  	s8 =	sadd.s32 $0xFFFFE003, lr  }
0x1b: {  	s9 =	sadd.s32 $0xFFFFFEF7, lr;
	s5 =	simm.s32 $0xFFFFFFFF;
	p2 =	slt.u32 s8, $0xFFFFF086  }
0x1c: {  	p1 =	slt.u32 s9, $0xF7A;
	s5 =	simm.s32 @!p2 $0x0  }
0x1d: {  	s5 =	simm.s32 @p1 $0x1;
	p0 =	seq.s32 s7, s2  }
0x1e: {  	s7 =	smul.u32 @!p0 $0xF7A, s2;
	p2 =	seq.s32 @!p0 s5, $0x0  }
0x1f: {  	s9 =	smul.u32 $0xF7A, s1;
	s8 =	simm.s32 @!p0 $0x1BF5;
	p2 =	por !p2, p0  }
0x20: {  	[sflag:s8] =	ssyncset.s32 @!p0 $0xFFFFF086;
	s6 =	sadd.s32 @!p0 s3, s7;
	s7 =	simm.s32 @!p0 $0x108  }
0x21: {  	s3 =	sadd.s32 s3, s9;
	s6 =	sadd.s32 @!p0 $0x88, s6;
	s7 =	simm.s32 @p2 $0x1082  }
0x22: {  	[simem:s7], [sflag:s8] =	dma.local @!p0 [hbm:s6], $0xF7A  }
0x23: {  	s9 =	sor.u32 $0xD0000000, s2;
	s6 =	simm.s32 $0x108;
	_ =	swait.ge @!p0 [sflag:s8], $0x0  }
0x24: {  	s3 =	sadd.s32 $0x88, s3;
	s6 =	simm.s32 @!p1 $0x1082;
	[sflag:s4] =	ssyncset.s32 $0xFFFFF086  }
0x25: {  	[simem:s6], [sflag:s4] =	dma.local [hbm:s3], $0xF7A  }
0x26: {  	[smem:$0x3F98] =	sst s1;
	(tag) =	ssettag s2;
	_ =	strace s9  }
0x27: {  	s1 =	sld [smem:$0x3FA8]  }
0x28: {  	s2 =	sld [smem:$0x3FA9]  }
0x29: {  	s4 =	sld [smem:$0x3FAB]  }
0x2a: {  	p0 =	seq.s32 s5, $0x0;
	s5 =	sld [smem:$0x3FAC]  }
0x2b: {  	s6 =	sld [smem:$0x3FAD]  }
0x2c: {  	s7 =	sld [smem:$0x3FAE]  }
0x2d: {  	s3 =	simm.s32 $0x108;
	s8 =	sld [smem:$0x3FAF]  }
0x2e: {  	s3 =	simm.s32 @!p0 $0x1082;
	s9 =	sld [smem:$0x3FB0]  }
0x2f: {  	lr =	sadd.s32 s0, s3;
	s0 =	sld [smem:$0x3FA7]  }
0x30: {  	s3 =	sld [smem:$0x3FAA]  }
0x31: {  	[smem:$0x3FB3] =	sst s10  }
0x32: {  	s10 =	sld [smem:$0x3FB1];
	_ =	sdelay $0x3  }
0x33: {  	p0 =	seq.s32 s10, $0x1;
	s10 =	sld [smem:$0x3FB3];
	_ =	sdelay $0x3  }
0x34: {  	[smem:$0x3FB3] =	sst s10  }
0x35: {  	s10 =	sld [smem:$0x3FB2];
	_ =	sdelay $0x3  }
0x36: {  	p1 =	seq.s32 s10, $0x1;
	s10 =	sld [smem:$0x3FB3];
	_ =	sdelay $0x3  }
0x37: {  	[smem:$0x3FB3] =	sst s10  }
0x38: {  	s10 =	sld [smem:$0x3FB4]  }
0x39: {  	_ = 	snop;
	(pc) =	sbr.ind lr, $3  }
0x3a: {  	_ = 	snop  }
0x3b: {  	_ = 	snop  }
0x3c: {  	p2 =	seq.s32 s10, $0x1;
	s10 =	sld [smem:$0x3FB3]  }
0x3d: {  	_ =	shalt  }
0x3e: {  	_ =	shalt  }
0x3f: {  	_ =	shalt  }
0x40: {  	_ =	shalt  }
0x41: {  	_ =	shalt  }
0x42: {  	_ =	shalt  }
0x43: {  	_ =	shalt  }
0x44: {  	_ =	shalt  }
0x45: {  	_ =	shalt  }
0x46: {  	_ =	shalt  }
0x47: {  	_ =	shalt  }
0x48: {  	_ =	shalt  }
0x49: {  	_ =	shalt  }
0x4a: {  	_ =	shalt  }
0x4b: {  	_ =	shalt  }
0x4c: {  	_ =	shalt  }
0x4d: {  	_ =	shalt  }
0x4e: {  	_ =	shalt  }
0x4f: {  	_ =	shalt  }
0x50: {  	_ =	shalt  }
0x51: {  	_ =	shalt  }
0x52: {  	_ =	shalt  }
0x53: {  	_ =	shalt  }
0x54: {  	_ =	shalt  }
0x55: {  	_ =	shalt  }
0x56: {  	_ =	shalt  }
0x57: {  	_ =	shalt  }
0x58: {  	_ =	shalt  }
0x59: {  	_ =	shalt  }
0x5a: {  	_ =	shalt  }
0x5b: {  	_ =	shalt  }
0x5c: {  	_ =	shalt  }
0x5d: {  	_ =	shalt  }
0x5e: {  	_ =	shalt  }
0x5f: {  	_ =	shalt  }
0x60: {  	_ =	shalt  }
0x61: {  	_ =	shalt  }
0x62: {  	_ =	shalt  }
0x63: {  	_ =	shalt  }
0x64: {  	_ =	shalt  }
0x65: {  	_ =	shalt  }
0x66: {  	_ =	shalt  }
0x67: {  	_ =	shalt  }
0x68: {  	_ =	shalt  }
0x69: {  	_ =	shalt  }
0x6a: {  	_ =	shalt  }
0x6b: {  	_ =	shalt  }
0x6c: {  	_ =	shalt  }
0x6d: {  	_ =	shalt  }
0x6e: {  	_ =	shalt  }
0x6f: {  	_ =	shalt  }
0x70: {  	_ =	shalt  }
0x71: {  	_ =	shalt  }
0x72: {  	_ =	shalt  }
0x73: {  	_ =	shalt  }
0x74: {  	_ =	shalt  }
0x75: {  	_ =	shalt  }
0x76: {  	_ =	shalt  }
0x77: {  	_ =	shalt  }
0x78: {  	_ =	shalt  }
0x79: {  	_ =	shalt  }
0x7a: {  	_ =	shalt  }
0x7b: {  	_ =	shalt  }
0x7c: {  	_ =	shalt  }
0x7d: {  	_ =	shalt  }
0x7e: {  	_ =	shalt  }
0x7f: {  	_ =	shalt  }
0x80: {  	_ =	shalt  }
0x81: {  	_ =	shalt  }
0x82: {  	_ =	shalt  }
0x83: {  	_ =	shalt  }
0x84: {  	_ =	shalt  }
0x85: {  	_ =	shalt  }
0x86: {  	_ =	shalt  }
0x87: {  	_ =	shalt  }
.Lfunc_end0:
.L_simem_size_0:
called_computation_lowered:
.L_overlay_start_0:
0x88: {  	s2 =	sld [smem:$0x3FD9]  }
0x89: {  	s3 =	sld [smem:$0x3FFE];
	_ =	sdelay $0x1  }
0x8a: {  	s1 =	srdreg.scid  }
0x8b: {  	s0 =	sand.u32 $0x1, s1  }
0x8c: {  	s17 =	sshll.u32 s0, $0xA;
	s2 =	sadd.s32 s3, s2  }
0x8d: {  	s2 =	sadd.s32 s2, s17  }
0x8e: {  	[smem:$0x3FBF] =	sst s2  }
0x8f: {  	_ = 	snop  }
0x90: {  	s2 =	sld [smem:$0x3FD0];
	(tm) =	ssettm $0x1  }
0x91: {  	s18 =	sld [smem:$0x3FFB];
	_ =	sdelay $0x3  }
0x92: {  	_ =	strace s18  }
0x93: {  	s3 =	sld [smem:$0x3FFC];
	_ =	sdelay $0x3  }
0x94: {  	_ =	strace s3  }
0x95: {  	s3 =	sld [smem:$0x3FFD];
	_ =	sdelay $0x3  }
0x96: {  	_ =	strace s3  }
0x97: {  	_ =	strace $0x8FFFFFFF  }
0x98: {  	s19 =	sld [smem:$0x3FDB];
	_ =	sdelay $0x1  }
0x99: {  	s4 =	simm.s32 $_scs_section_size  }
0x9a: {  	s5 =	simm.s32 $_size__tile_overlayer_lowered;
	s6 =	simm.s32 $_tile_overlayer_lowered  }
0x9b: {  	s22 =	simm.s32 $0x1BFF;
	s21 =	sshll.u32 s6, $0x1;
	s3 =	sadd.s32 s4, s19  }
0x9c: {  	s7 =	simm.s32 $0x0;
	s20 =	sshll.u32 s5, $0x1;
	s5 =	sadd.s32 s21, s3  }
0x9d: {  	[timem:s7], [sflag:s22] =	dma.local [hbm:s5], s20  }
0x9e: {  	_ =	swait.ge [sflag:s22], s20  }
0x9f: {  	s4 =	ssub.s32 $0x0, s20;
	[sflag:s22] =	ssyncset.done $0x0  }
0xa0: {  	[sflag:s22] =	ssyncadd.s32 s4;
	_ =	sdelay $0x1  }
0xa1: {  	s23 =	simm.s32 $0x1B8B  }
0xa2: {  	_ =	swait.ge [sflag:s23], $0x1  }
0xa3: {  	[sflag:s23] =	ssyncset.done $0x0  }
0xa4: {  	s25 =	simm.s32 $0x1B8E;
	s24 =	sld [smem:$0x3FFE];
	[sflag:s23] =	ssyncadd.s32 $0xFFFFFFFF  }
0xa5: {  	s26 =	simm.s32 $execute0_lowered;
	[smem:$0x3FD2] =	sst s25  }
0xa6: {  	s5 =	sshll.u32 s26, $0x1;
	_ =	strace $0x80000046;
	[dreg:$0x1] =	wrdreg $0xFFFFFFFF  }
0xa7: {  	s28 =	simm.s32 $_size_execute0_lowered;
	s3 =	sadd.s32 s3, s5;
	[dreg:$0x0] =	wrdreg $0x0  }
0xa8: {  	s5 =	sshll.u32 s28, $0x1;
	[dreg:$0x2] =	wrdreg s3  }
0xa9: {  	[dreg:$0x3] =	wrdreg s5  }
0xaa: {  	[dreg:$0x4] =	wrdreg $0xC0  }
0xab: {  	_ =	task [dreg:s7], $0x5FFFF  }
0xac: {  	[dreg:$0x1] =	wrdreg $0xFFFFFFFF  }
0xad: {  	[dreg:$0x0] =	wrdreg $0x60  }
0xae: {  	[dreg:$0x2] =	wrdreg s24  }
0xaf: {  	[dreg:$0x3] =	wrdreg s2  }
0xb0: {  	[dreg:$0x4] =	wrdreg $0x9  }
0xb1: {  	_ =	task.clear_ibuf [dreg:s7], $0x5FFFF;
	_ =	strace $0x90000046  }
0xb2: {  	s29 =	simm.s32 $0x9;
	_ =	strace $0x80000048  }
0xb3: {  	_ =	swait.ge [sflag:s29], $0x1  }
0xb4: {  	[sflag:s29] =	ssyncadd.s32 $0xFFFFFFFF  }
0xb5: {  	_ =	strace $0x90000048  }
0xb6: {  	_ =	sfence  }
0xb7: {  	s30 =	sld [smem:$0x0];
	_ =	sdelay $0x2  }
0xb8: {  	s31 =	sshll.u32 s1, $0xD;
	s1 =	sshrl.u32 s1, $0x2  }
0xb9: {  	s3 =	sand.u32 $0x4000, s31;
	s1 =	sadd.s32 s1, s30  }
0xba: {  	s0 =	sor.u32 s3, s0;
	s1 =	sshll.u32 s1, $0x11  }
0xbb: {  	s0 =	sor.u32 s1, s0  }
0xbc: {  	s0 =	sadd.s32 $0x8F2B, s0  }
0xbd: {  	[sflag:s0] =	ssyncadd.remote.s32 $0x1  }
0xbe: {  	_ =	sfence.sel $0xFFFF  }
0xbf: {  	[dreg:$0x0] =	wrdreg $0xFFFFFFFF;
	(pc) =	sbr.abs _section_cstart, $3  }
0xc0: {  	[dreg:$0x1] =	wrdreg $0xFFFFFFFF  }
0xc1: {  	_ =	task.clear_ibuf [dreg:s7], $0x2FFFF;
	_ =	strace $0x9FFFFFFF  }
0xc2: {  	(tm) =	ssettm $0x7FFFFFFF  }
0xc3: {  	_ =	shalt  }
tec
execute0_lowered:
.L_overlay_start_1:
0x0: {  	(tag) =	ssettag $0x1  }
0x1: {  	s1 =	srdreg.scid  }
0x2: {  	s0 =	stileid.u32;
	s6 =	sand.u32 $0x1, s1  }
0x3: {  	s5 =	rddreg [dreg:$0x0];
	s30 =	sshll.u32 s0, $0x4;
	s2 =	sshll.u32 s6, $0x3  }
0x4: {  	s9 =	rddreg [dreg:$0x1];
	s7 =	simm.s32 $0x80;
	s10 =	sor.u32 s2, s30  }
0x5: {  	s1 =	rddreg [dreg:$0x2];
	s2 =	simm.s32 $0x0;
	s3 =	sshrl.u32 s10, $0x3  }
0x6: {  	s11 =	ssub.s32 $0x2, s6;
	[smem:$0x7FF] =	sst s2;
	s3 =	sadd.s32 s3, s5  }
0x7: {  	_ =	strace $0x80000047;
	s4 =	sadd.s32 $0x1200, s3;
	s3 =	simm.s32 $0x2  }
0x8: {  	[tilespmem:s2], [sflag:$0x2] =	stream.linear.gather [hbm4b:s4+s2], $0x8, $0x38;
	[tilespmem:$0x480] =	vst v63  }
0x9: {  	s8 =	simm.s32 $0x1;
	s12 =	sshrl.u32 s11, $0x1;
	_ =	swait.ge [sflag:s3], $0x8  }
0xa: {  	s6 =	simm.s32 $0x8;
	s11 =	ssub.s32 s11, s12;
	[sflag:s3] =	ssyncset.done $0x0  }
0xb: {  	s5 =	sadd.s32 $0x1400, s5;
	s31 =	smax.u32 s11, $0x1;
	[sflag:s3] =	ssyncadd.s32 $0xFFFFFFF8  }
0xc: {  	[tilespmem:s7], [sflag:$0x1] =	stream.indirect.gather [hbm4b:s5+s6], $0x80, s2, s6, $0xb8;
	[tilespmem:$0x480] =	vst v63  }
0xd: {  	p0 =	sne.s32 s31, $0x1;
	_ =	swait.ge [sflag:s8], $0x400  }
.Ltmp0:
0xe: {  	s10 =	sshll.u32 s10, $0x4;
	[sflag:s8] =	ssyncset.done $0x0;
	(pc) =	sbr.rel @!p0 .LBB2_2-.Ltmp0, $4  }
0xf: {  	s9 =	sadd.s32 s9, s10;
	[sflag:s8] =	ssyncadd.s32 $0xFFFFFC00  }
0x10: {  	[hbm4b:s9+s2] =	stream.linear.scatter [tilespmem:s7], [sflag:$0x2], $0x400, $0x38;
	[tilespmem:$0x480] =	vst v63  }
0x11: {  	_ =	swait.ge [sflag:s3], $0x400  }
0x12: {  	s10 =	sadd.s32 $0xFFFFFFFF, s31;
	[sflag:s3] =	ssyncset.done $0x0  }
.LBB2_1:
0x13: {  	p0 =	sne.s32 s10, $0x1;
	s10 =	sadd.s32 $0xFFFFFFFF, s10;
	[sflag:s3] =	ssyncadd.s32 $0xFFFFFC00  }
0x14: {  	[tilespmem:s2], [sflag:$0x2] =	stream.linear.gather [hbm4b:s4+s2], $0x8, $0x38;
	[tilespmem:$0x480] =	vst v63  }
0x15: {  	_ =	swait.ge [sflag:s3], $0x8  }
0x16: {  	[sflag:s3] =	ssyncset.done $0x0  }
0x17: {  	[sflag:s3] =	ssyncadd.s32 $0xFFFFFFF8  }
0x18: {  	[tilespmem:s7], [sflag:$0x1] =	stream.indirect.gather [hbm4b:s5+s6], $0x80, s2, s6, $0xb8;
	[tilespmem:$0x480] =	vst v63  }
0x19: {  	_ =	swait.ge [sflag:s8], $0x400  }
.Ltmp1:
0x1a: {  	[sflag:s8] =	ssyncset.done $0x0;
	(pc) =	sbr.rel @p0 .LBB2_1-.Ltmp1, $4  }
0x1b: {  	[sflag:s8] =	ssyncadd.s32 $0xFFFFFC00  }
0x1c: {  	[hbm4b:s9+s2] =	stream.linear.scatter [tilespmem:s7], [sflag:$0x2], $0x400, $0x38;
	[tilespmem:$0x480] =	vst v63  }
0x1d: {  	_ =	swait.ge [sflag:s3], $0x400  }
0x1e: {  	[sflag:s3] =	ssyncset.done $0x0  }
.LBB2_2:
0x1f: {  	[sflag:s3] =	ssyncadd.s32 $0xFFFFFC00  }
0x20: {  	_ =	sfence.sel $0x180000  }
0x21: {  	[bflag:$0x0] =	sbarrier.arrive $0xFFFF  }
0x22: {  	p0 =	sne.s32 s0, $0x0;
	_ =	strace $0x90000047  }
0x23: {  	s0 =	sadd.s32 @!p0 $0x100000, s1;
	[bflag:$0x2] =	sbarrier.arrive $0xFFFF  }
0x24: {  	[sflag:s0] =	ssyncadd.tile.s32 @!p0 $0x1;
	_ =	shalt  }
.Lfunc_end2:
_tile_overlayer_lowered:
.L_overlay_start_2:
0x25: {  	(tag) =	ssettag $0x2  }
0x26: {  	s0 =	rddreg [dreg:$0x0];
	s2 =	stileid.u32  }
0x27: {  	s1 =	rddreg [dreg:$0x1];
	p0 =	sne.s32 s2, $0x0  }
0x28: {  	s3 =	rddreg [dreg:$0x2];
	[bflag:$0x3] =	sbarrier.arrive $0xFFFF;
	s2 =	simm.s32 @!p0 $0x1C02  }
0x29: {  	[timem:s3], [sflag:s2] =	dma.local @!p0 [hbm:s0], s1  }
0x2a: {  	s0 =	simm.s32 @!p0 $0x2  }
0x2b: {  	_ =	swait.ge @!p0 [sflag:s0], s1  }
0x2c: {  	s1 =	ssub.s32 @!p0 $0x0, s1;
	[sflag:s0] =	ssyncset.done @!p0 $0x0  }
0x2d: {  	[sflag:s0] =	ssyncadd.s32 @!p0 s1  }
0x2e: {  	[bflag:$0x3] =	sbarrier.arrive $0xFFFF  }
0x2f: {  	_ =	shalt  }

</sc_bundles>
